<compile_context>
chip_gen: v7x
topology: tpu7x:2x2x1
jax: 0.10.2.dev20260603
libtpu: 0.0.44.dev20260713+nightly
codegen_flags: <defaults>
</compile_context>

<pallas_src>
import functools

import jax
import jax.numpy as jnp
from jax import lax
from jax.experimental import pallas as pl
from jax.experimental.pallas import tpu as pltpu
from jax.experimental.pallas import tpu_sc as plsc

_TEMPERATURE = 0.1
_KEY_HI = 0
_KEY_LO = 1234

_SC_CORES = 2
_SC_SUBCORES = 16
_SC_CHUNK = 128


def _gumbel_from_flat_index(i):
    ks0 = jnp.uint32(_KEY_HI)
    ks1 = jnp.uint32(_KEY_LO)
    ks2 = jnp.uint32(_KEY_HI ^ _KEY_LO ^ 0x1BD11BDA)

    def rotl(x, d):
        return lax.shift_left(x, jnp.uint32(d)) | lax.shift_right_logical(
            x, jnp.uint32(32 - d))

    def four_rounds(x0, x1, rots):
        for r in rots:
            x0 = x0 + x1
            x1 = rotl(x1, r)
            x1 = x0 ^ x1
        return x0, x1

    r_even = (13, 15, 26, 6)
    r_odd = (17, 29, 16, 24)
    x0 = jnp.full_like(i, ks0)
    x1 = i + ks1
    x0, x1 = four_rounds(x0, x1, r_even)
    x0 = x0 + ks1
    x1 = x1 + ks2 + jnp.uint32(1)
    x0, x1 = four_rounds(x0, x1, r_odd)
    x0 = x0 + ks2
    x1 = x1 + ks0 + jnp.uint32(2)
    x0, x1 = four_rounds(x0, x1, r_even)
    x0 = x0 + ks0
    x1 = x1 + ks1 + jnp.uint32(3)
    x0, x1 = four_rounds(x0, x1, r_odd)
    x0 = x0 + ks1
    x1 = x1 + ks2 + jnp.uint32(4)
    x0, x1 = four_rounds(x0, x1, r_even)
    x0 = x0 + ks2
    x1 = x1 + ks0 + jnp.uint32(5)
    bits = x0 ^ x1
    fbits = lax.shift_right_logical(bits, jnp.uint32(9)) | jnp.uint32(0x3F800000)
    f = lax.bitcast_convert_type(fbits, jnp.float32) - jnp.float32(1.0)
    minval = jnp.float32(1e-8)
    maxval = jnp.float32(1.0)
    u = jnp.maximum(minval, f * (maxval - minval) + minval)
    return jnp.log(-jnp.log(u))


def _sc_gather_1d(table, idx):
    n = idx.shape[0]
    nw = _SC_CORES * _SC_SUBCORES
    per_w = n // nw
    n_chunks = per_w // _SC_CHUNK
    idx3 = idx.reshape(nw, n_chunks, _SC_CHUNK)
    mesh = plsc.VectorSubcoreMesh(core_axis_name="c", subcore_axis_name="s")

    @functools.partial(
        pl.kernel,
        out_type=jax.ShapeDtypeStruct((nw, n_chunks, _SC_CHUNK), jnp.float32),
        mesh=mesh,
        scratch_types=[
            pltpu.VMEM((n_chunks, _SC_CHUNK), jnp.int32),
            pltpu.VMEM((n_chunks, _SC_CHUNK), jnp.float32),
            pltpu.SemaphoreType.DMA,
        ],
    )
    def k(table_hbm, idx_hbm, out_hbm, idx_v, vals_v, sem):
        wid = lax.axis_index("s") * _SC_CORES + lax.axis_index("c")
        pltpu.sync_copy(idx_hbm.at[wid], idx_v)

        @pl.loop(0, n_chunks)
        def _(j):
            pltpu.async_copy(table_hbm.at[idx_v.at[j]], vals_v.at[j], sem)

        @pl.loop(0, n_chunks)
        def _(j):
            pltpu.make_async_copy(table_hbm.at[idx_v.at[j]], vals_v.at[j],
                                  sem).wait()

        pltpu.sync_copy(vals_v, out_hbm.at[wid])

    return k(table, idx3).reshape(n)


def _tc_body2(vocab_size, emb_size, concepts_ref, cw_ref, tw_ref, idx_ref,
              embs_ref, out_ref):
    c = concepts_ref[...]
    s_idx = lax.broadcasted_iota(jnp.uint32, c.shape, 1)
    flat = s_idx * jnp.uint32(vocab_size) + c.astype(jnp.uint32)
    g = _gumbel_from_flat_index(flat)
    scale = jnp.float32(1.0 / (_TEMPERATURE * _TEMPERATURE))
    y = tw_ref[...] * cw_ref[...] * scale + g
    w = jax.nn.sigmoid(y)
    bb, S = c.shape
    parts = []
    for lo in range(0, S, 128):
        hi = min(lo + 128, S)
        span = hi - lo
        idx = jnp.broadcast_to(idx_ref[:, :span * emb_size], (bb, span * emb_size))
        parts.append(jnp.take_along_axis(w[:, lo:hi], idx, axis=1))
    w_exp = jnp.concatenate(parts, axis=1)
    out_ref[...] = embs_ref[...] * w_exp


def kernel(concepts, concept_embs, time_causal_matrix, concept_causal_matrix):
    B, S, E = concept_embs.shape
    V = concept_causal_matrix.shape[0]
    cw = _sc_gather_1d(concept_causal_matrix, concepts.reshape(-1)).reshape(B, S)
    tw_row = time_causal_matrix[:S].reshape(1, S)
    embs2 = concept_embs.reshape(B, S * E)
    idx_row = (jnp.arange(128 * E, dtype=jnp.int32) // E).reshape(1, 128 * E)
    block_b = 128
    out = pl.pallas_call(
        functools.partial(_tc_body2, V, E),
        grid=(B // block_b,),
        in_specs=[
            pl.BlockSpec((block_b, S), lambda i: (i, 0)),
            pl.BlockSpec((block_b, S), lambda i: (i, 0)),
            pl.BlockSpec((1, S), lambda i: (0, 0)),
            pl.BlockSpec((1, 128 * E), lambda i: (0, 0)),
            pl.BlockSpec((block_b, S * E), lambda i: (i, 0)),
        ],
        out_specs=pl.BlockSpec((block_b, S * E), lambda i: (i, 0)),
        out_shape=jax.ShapeDtypeStruct((B, S * E), jnp.float32),
    )(concepts, cw, tw_row, idx_row, embs2)
    return out.reshape(B, S, E)

# --- scband reference (transcript-rebuilt; emitter-appended) ---
"""Pipeline reference for scband-time-causal-regulator-45938970198572 (READ-ONLY COPY).

The authoritative reference and input builder live on the scoring server;
editing this copy changes nothing except your own understanding.
"""

import jax, jax.numpy as jnp
import numpy as np

CONCEPT_NUM = 100000
EMB_SIZE = 64
MAX_LEN = 200
TEMPERATURE = 0.1
L1_LAMBDA = 0.001
B = 1024
SEQ = 200


def setup_inputs(seed: int = 0) -> dict:
    key = jax.random.key(seed)
    k1, k2 = jax.random.split(key)
    concepts = jax.random.randint(k1, (B, SEQ), 0, CONCEPT_NUM, dtype=jnp.int32)
    concept_embs = jax.random.normal(k2, (B, SEQ, EMB_SIZE), dtype=jnp.float32)
    # learned parameters, initialized to 0.5 as in nn.init.constant_
    time_causal_matrix = jnp.full((MAX_LEN,), 0.5, dtype=jnp.float32)
    concept_causal_matrix = jnp.full((CONCEPT_NUM,), 0.5, dtype=jnp.float32)
    return {
        "concepts": concepts,
        "concept_embs": concept_embs,
        "time_causal_matrix": time_causal_matrix,
        "concept_causal_matrix": concept_causal_matrix,
    }


def reference(concepts, concept_embs, time_causal_matrix, concept_causal_matrix):
    batch_size, seq_len, emb_size = concept_embs.shape
    time_weights = time_causal_matrix / TEMPERATURE
    concept_weights = concept_causal_matrix / TEMPERATURE
    causal_matrix = jnp.outer(time_weights, concept_weights)  # [MAX_LEN, CONCEPT_NUM]
    # step_norm_loss side effect (not returned by forward)
    step_norm_loss = L1_LAMBDA * jnp.linalg.norm(causal_matrix)
    # gumbel_sample
    noise = jax.random.uniform(jax.random.key(1234), causal_matrix.shape,
                               dtype=jnp.float32, minval=1e-8, maxval=1.0)
    y = causal_matrix + jnp.log(-jnp.log(noise))
    y_softmax = jax.nn.sigmoid(y)
    mask = (y_softmax > 0.5).astype(jnp.float32)  # computed but unused downstream
    # gather: weight_matrix[b, s] = y_softmax[s, concepts[b, s]]
    w = y_softmax[:seq_len, :]  # [S, V]
    weight_matrix = w[jnp.arange(seq_len)[None, :], concepts]  # [B, S]
    cal_concept_weight = weight_matrix[:, :seq_len][:, :, None]  # [B, S, 1]
    out_concept_embs = concept_embs * cal_concept_weight
    return out_concept_embs

if __name__ == "__main__":
    import jax
    _d = setup_inputs()
    print(jax.jit(kernel)(*tuple(_d.values())))

</pallas_src>

<mosaic_0001>
#map = affine_map<(d0, d1) -> (0)>
#map1 = affine_map<(d0, d1) -> (0, 0, 0)>
module attributes {stable_mosaic.version = 14 : i64} {
  func.func @k(%arg0: i32, %arg1: i32, %arg2: memref<100000xf32, #tpu.memory_space<hbm>>, %arg3: memref<32x50x128xi32, #tpu.memory_space<hbm>>, %arg4: memref<32x50x128xf32, #tpu.memory_space<hbm>>, %arg5: memref<50x128xi32, #tpu.memory_space<vmem>>, %arg6: memref<50x128xf32, #tpu.memory_space<vmem>>, %arg7: memref<!tpu.dma_semaphore, #tpu.memory_space<semaphore_mem>>) attributes {dimension_semantics = [#tpu.dimension_semantics<core_parallel>, #tpu.dimension_semantics<subcore_parallel>], iteration_bounds = array<i64: 2, 16>, scalar_prefetch = 0 : i64, scratch_operands = 3 : i64, tpu.core_type = #tpu.core_type<sc_vector_subcore>, window_params = [{transform_indices = #map}, {transform_indices = #map1}, {transform_indices = #map1}]} {
    %mul3A = arith.constant 2 : i32
    %mul3A_0 = arith.muli %arg1, %mul3A : i32
    %add3A = arith.addi %mul3A_0, %arg0 : i32
    "tpu.region"() ({
      %run_scoped3A = tpu.sem_alloc : memref<!tpu.dma_semaphore, #tpu.memory_space<semaphore_mem>>
      %dma_start3A = arith.constant 0 : i32
      %dma_start3A_10 = arith.constant 0 : i32
      %dma_start3A_11 = tpu.memref_slice %arg3[%add3A, %dma_start3A, %dma_start3A_10] : memref<32x50x128xi32, #tpu.memory_space<hbm>> -> memref<1x50x128xi32, #tpu.memory_space<hbm>>
      %dma_start3A_12 = tpu.memref_squeeze %dma_start3A_11 : memref<1x50x128xi32, #tpu.memory_space<hbm>> -> memref<50x128xi32, #tpu.memory_space<hbm>>
      %dma_start3A_13 = arith.constant 0 : i32
      %dma_start3A_14 = arith.constant 0 : i32
      %dma_start3A_15 = tpu.memref_slice %arg3[%add3A, %dma_start3A_13, %dma_start3A_14] : memref<32x50x128xi32, #tpu.memory_space<hbm>> -> memref<1x50x128xi32, #tpu.memory_space<hbm>>
      %dma_start3A_16 = tpu.memref_squeeze %dma_start3A_15 : memref<1x50x128xi32, #tpu.memory_space<hbm>> -> memref<50x128xi32, #tpu.memory_space<hbm>>
      tpu.enqueue_dma source(%dma_start3A_16 : memref<50x128xi32, #tpu.memory_space<hbm>>) target(%arg5 : memref<50x128xi32, #tpu.memory_space<vmem>>) target_semaphore(%run_scoped3A : memref<!tpu.dma_semaphore, #tpu.memory_space<semaphore_mem>>)
      %dma_wait3A = arith.constant 0 : i32
      %dma_wait3A_17 = arith.constant 0 : i32
      %dma_wait3A_18 = tpu.memref_slice %arg3[%add3A, %dma_wait3A, %dma_wait3A_17] : memref<32x50x128xi32, #tpu.memory_space<hbm>> -> memref<1x50x128xi32, #tpu.memory_space<hbm>>
      %dma_wait3A_19 = tpu.memref_squeeze %dma_wait3A_18 : memref<1x50x128xi32, #tpu.memory_space<hbm>> -> memref<50x128xi32, #tpu.memory_space<hbm>>
      %dma_wait3A_20 = arith.constant 0 : i32
      %dma_wait3A_21 = arith.constant 0 : i32
      %dma_wait3A_22 = tpu.memref_slice %arg3[%add3A, %dma_wait3A_20, %dma_wait3A_21] : memref<32x50x128xi32, #tpu.memory_space<hbm>> -> memref<1x50x128xi32, #tpu.memory_space<hbm>>
      %dma_wait3A_23 = tpu.memref_squeeze %dma_wait3A_22 : memref<1x50x128xi32, #tpu.memory_space<hbm>> -> memref<50x128xi32, #tpu.memory_space<hbm>>
      tpu.wait_dma2 semaphore(%run_scoped3A : memref<!tpu.dma_semaphore, #tpu.memory_space<semaphore_mem>>) src(%dma_wait3A_23 : memref<50x128xi32, #tpu.memory_space<hbm>>) dst(%arg5 : memref<50x128xi32, #tpu.memory_space<vmem>>)
      tpu.yield
    }) : () -> ()
    %scan3A = arith.constant 0 : i32
    %scan3A_1 = arith.constant 50 : i32
    %scan3A_2 = arith.addi %scan3A, %scan3A_1 : i32
    %scan3A_3 = arith.constant 1 : i32
    scf.for %scan3A_10 = %scan3A to %scan3A_2 step %scan3A_3  : i32 {
      %mul3A_11 = arith.constant 1 : i32
      %mul3A_12 = arith.muli %scan3A_10, %mul3A_11 : i32
      %add3A_13 = arith.constant 0 : i32
      %add3A_14 = arith.addi %add3A_13, %mul3A_12 : i32
      %dma_start3A = arith.constant 0 : i32
      %dma_start3A_15 = tpu.memref_slice %arg6[%add3A_14, %dma_start3A] : memref<50x128xf32, #tpu.memory_space<vmem>> -> memref<1x128xf32, #tpu.memory_space<vmem>>
      %dma_start3A_16 = tpu.memref_squeeze %dma_start3A_15 : memref<1x128xf32, #tpu.memory_space<vmem>> -> memref<128xf32, #tpu.memory_space<vmem>>
      %dma_start3A_17 = arith.constant 0 : i32
      %dma_start3A_18 = tpu.memref_slice %arg5[%add3A_14, %dma_start3A_17] : memref<50x128xi32, #tpu.memory_space<vmem>> -> memref<1x128xi32, #tpu.memory_space<vmem>>
      %dma_start3A_19 = tpu.memref_squeeze %dma_start3A_18 : memref<1x128xi32, #tpu.memory_space<vmem>> -> memref<128xi32, #tpu.memory_space<vmem>>
      %dma_start3A_20 = arith.constant 0 : i32
      %dma_start3A_21 = tpu.memref_slice %arg2[%dma_start3A_20] : memref<100000xf32, #tpu.memory_space<hbm>> -> memref<100000xf32, #tpu.memory_space<hbm>>
      tpu.enqueue_indirect_dma source(%dma_start3A_21 : memref<100000xf32, #tpu.memory_space<hbm>>) target(%dma_start3A_16 : memref<128xf32, #tpu.memory_space<vmem>>) offsets(%dma_start3A_19 : memref<128xi32, #tpu.memory_space<vmem>>) semaphore(%arg7 : memref<!tpu.dma_semaphore, #tpu.memory_space<semaphore_mem>>)
    }
    %scan3A_4 = arith.constant 50 : i32
    %scan3A_5 = arith.constant 0 : i32
    %scan3A_6 = arith.constant 50 : i32
    %scan3A_7 = arith.addi %scan3A_5, %scan3A_6 : i32
    %scan3A_8 = arith.constant 1 : i32
    scf.for %scan3A_10 = %scan3A_5 to %scan3A_7 step %scan3A_8  : i32 {
      %mul3A_11 = arith.constant 1 : i32
      %mul3A_12 = arith.muli %scan3A_10, %mul3A_11 : i32
      %add3A_13 = arith.constant 0 : i32
      %add3A_14 = arith.addi %add3A_13, %mul3A_12 : i32
      %dma_wait3A = arith.constant 0 : i32
      %dma_wait3A_15 = tpu.memref_slice %arg6[%add3A_14, %dma_wait3A] : memref<50x128xf32, #tpu.memory_space<vmem>> -> memref<1x128xf32, #tpu.memory_space<vmem>>
      %dma_wait3A_16 = tpu.memref_squeeze %dma_wait3A_15 : memref<1x128xf32, #tpu.memory_space<vmem>> -> memref<128xf32, #tpu.memory_space<vmem>>
      %dma_wait3A_17 = arith.constant 0 : i32
      %dma_wait3A_18 = tpu.memref_slice %arg5[%add3A_14, %dma_wait3A_17] : memref<50x128xi32, #tpu.memory_space<vmem>> -> memref<1x128xi32, #tpu.memory_space<vmem>>
      %dma_wait3A_19 = tpu.memref_squeeze %dma_wait3A_18 : memref<1x128xi32, #tpu.memory_space<vmem>> -> memref<128xi32, #tpu.memory_space<vmem>>
      %dma_wait3A_20 = arith.constant 0 : i32
      %dma_wait3A_21 = tpu.memref_slice %arg2[%dma_wait3A_20] : memref<100000xf32, #tpu.memory_space<hbm>> -> memref<100000xf32, #tpu.memory_space<hbm>>
      tpu.wait_indirect_dma semaphore(%arg7 : memref<!tpu.dma_semaphore, #tpu.memory_space<semaphore_mem>>) src(%dma_wait3A_21 : memref<100000xf32, #tpu.memory_space<hbm>>) dst(%dma_wait3A_16 : memref<128xf32, #tpu.memory_space<vmem>>)
    }
    %scan3A_9 = arith.constant 50 : i32
    "tpu.region"() ({
      %run_scoped3A = tpu.sem_alloc : memref<!tpu.dma_semaphore, #tpu.memory_space<semaphore_mem>>
      %dma_start3A = arith.constant 0 : i32
      %dma_start3A_10 = arith.constant 0 : i32
      %dma_start3A_11 = tpu.memref_slice %arg4[%add3A, %dma_start3A, %dma_start3A_10] : memref<32x50x128xf32, #tpu.memory_space<hbm>> -> memref<1x50x128xf32, #tpu.memory_space<hbm>>
      %dma_start3A_12 = tpu.memref_squeeze %dma_start3A_11 : memref<1x50x128xf32, #tpu.memory_space<hbm>> -> memref<50x128xf32, #tpu.memory_space<hbm>>
      %dma_start3A_13 = arith.constant 0 : i32
      %dma_start3A_14 = arith.constant 0 : i32
      %dma_start3A_15 = tpu.memref_slice %arg4[%add3A, %dma_start3A_13, %dma_start3A_14] : memref<32x50x128xf32, #tpu.memory_space<hbm>> -> memref<1x50x128xf32, #tpu.memory_space<hbm>>
      %dma_start3A_16 = tpu.memref_squeeze %dma_start3A_15 : memref<1x50x128xf32, #tpu.memory_space<hbm>> -> memref<50x128xf32, #tpu.memory_space<hbm>>
      tpu.enqueue_dma source(%arg6 : memref<50x128xf32, #tpu.memory_space<vmem>>) target(%dma_start3A_16 : memref<50x128xf32, #tpu.memory_space<hbm>>) target_semaphore(%run_scoped3A : memref<!tpu.dma_semaphore, #tpu.memory_space<semaphore_mem>>)
      %dma_wait3A = arith.constant 0 : i32
      %dma_wait3A_17 = arith.constant 0 : i32
      %dma_wait3A_18 = tpu.memref_slice %arg4[%add3A, %dma_wait3A, %dma_wait3A_17] : memref<32x50x128xf32, #tpu.memory_space<hbm>> -> memref<1x50x128xf32, #tpu.memory_space<hbm>>
      %dma_wait3A_19 = tpu.memref_squeeze %dma_wait3A_18 : memref<1x50x128xf32, #tpu.memory_space<hbm>> -> memref<50x128xf32, #tpu.memory_space<hbm>>
      %dma_wait3A_20 = arith.constant 0 : i32
      %dma_wait3A_21 = arith.constant 0 : i32
      %dma_wait3A_22 = tpu.memref_slice %arg4[%add3A, %dma_wait3A_20, %dma_wait3A_21] : memref<32x50x128xf32, #tpu.memory_space<hbm>> -> memref<1x50x128xf32, #tpu.memory_space<hbm>>
      %dma_wait3A_23 = tpu.memref_squeeze %dma_wait3A_22 : memref<1x50x128xf32, #tpu.memory_space<hbm>> -> memref<50x128xf32, #tpu.memory_space<hbm>>
      tpu.wait_dma2 semaphore(%run_scoped3A : memref<!tpu.dma_semaphore, #tpu.memory_space<semaphore_mem>>) src(%arg6 : memref<50x128xf32, #tpu.memory_space<vmem>>) dst(%dma_wait3A_23 : memref<50x128xf32, #tpu.memory_space<hbm>>)
      tpu.yield
    }) : () -> ()
    return
  }
}

module attributes {stable_mosaic.version = 14 : i64} {
  func.func @_tc_body2(%arg0: i32, %arg1: memref<128x200xi32, #tpu.memory_space<vmem>>, %arg2: memref<128x200xf32, #tpu.memory_space<vmem>>, %arg3: memref<1x200xf32, #tpu.memory_space<vmem>>, %arg4: memref<1x8192xi32, #tpu.memory_space<vmem>>, %arg5: memref<128x12800xf32, #tpu.memory_space<vmem>>, %arg6: memref<128x12800xf32, #tpu.memory_space<vmem>>) attributes {dimension_semantics = [#tpu.dimension_semantics<arbitrary>], iteration_bounds = array<i64: 8>, scalar_prefetch = 0 : i64, scratch_operands = 0 : i64, tpu.core_type = #tpu.core_type<tc>, window_params = [{transform_indices = @transform_0, window_bounds = array<i64: 128, 200>}, {transform_indices = @transform_1, window_bounds = array<i64: 128, 200>}, {pipeline_mode = #tpu.pipeline_mode<synchronous>, transform_indices = @transform_2, window_bounds = array<i64: 1, 200>}, {pipeline_mode = #tpu.pipeline_mode<synchronous>, transform_indices = @transform_3, window_bounds = array<i64: 1, 8192>}, {transform_indices = @transform_4, window_bounds = array<i64: 128, 12800>}, {transform_indices = @transform_5, window_bounds = array<i64: 128, 12800>}]} {
    %get3A = arith.constant 0 : index
    %get3A_0 = arith.constant 0 : index
    %get3A_1 = vector.load %arg1[%get3A, %get3A_0] : memref<128x200xi32, #tpu.memory_space<vmem>>, vector<128x200xi32>
    %iota3A = tpu.iota {dimensions = array<i32: 1>} : vector<128x200xi32>
    %mul3A = arith.constant 100000 : i32
    %mul3A_2 = vector.broadcast %mul3A : i32 to vector<128x200xi32>
    %mul3A_3 = arith.muli %iota3A, %mul3A_2 : vector<128x200xi32>
    %add3A = arith.addi %mul3A_3, %get3A_1 : vector<128x200xi32>
    %broadcast_in_dim3A = arith.constant 0 : i32
    %broadcast_in_dim3A_4 = vector.broadcast %broadcast_in_dim3A : i32 to vector<128x200xi32>
    %add3A_5 = arith.constant 1234 : i32
    %add3A_6 = vector.broadcast %add3A_5 : i32 to vector<128x200xi32>
    %add3A_7 = arith.addi %add3A, %add3A_6 : vector<128x200xi32>
    %add3A_8 = arith.addi %broadcast_in_dim3A_4, %add3A_7 : vector<128x200xi32>
    %shift_left3A = arith.constant 13 : i32
    %shift_left3A_9 = vector.broadcast %shift_left3A : i32 to vector<128x200xi32>
    %shift_left3A_10 = arith.shli %add3A_7, %shift_left3A_9 : vector<128x200xi32>
    %shift_right_logical3A = arith.constant 19 : i32
    %shift_right_logical3A_11 = vector.broadcast %shift_right_logical3A : i32 to vector<128x200xi32>
    %shift_right_logical3A_12 = arith.shrui %add3A_7, %shift_right_logical3A_11 : vector<128x200xi32>
    %or3A = arith.ori %shift_left3A_10, %shift_right_logical3A_12 : vector<128x200xi32>
    %xor3A = arith.xori %add3A_8, %or3A : vector<128x200xi32>
    %add3A_13 = arith.addi %add3A_8, %xor3A : vector<128x200xi32>
    %shift_left3A_14 = arith.constant 15 : i32
    %shift_left3A_15 = vector.broadcast %shift_left3A_14 : i32 to vector<128x200xi32>
    %shift_left3A_16 = arith.shli %xor3A, %shift_left3A_15 : vector<128x200xi32>
    %shift_right_logical3A_17 = arith.constant 17 : i32
    %shift_right_logical3A_18 = vector.broadcast %shift_right_logical3A_17 : i32 to vector<128x200xi32>
    %shift_right_logical3A_19 = arith.shrui %xor3A, %shift_right_logical3A_18 : vector<128x200xi32>
    %or3A_20 = arith.ori %shift_left3A_16, %shift_right_logical3A_19 : vector<128x200xi32>
    %xor3A_21 = arith.xori %add3A_13, %or3A_20 : vector<128x200xi32>
    %add3A_22 = arith.addi %add3A_13, %xor3A_21 : vector<128x200xi32>
    %shift_left3A_23 = arith.constant 26 : i32
    %shift_left3A_24 = vector.broadcast %shift_left3A_23 : i32 to vector<128x200xi32>
    %shift_left3A_25 = arith.shli %xor3A_21, %shift_left3A_24 : vector<128x200xi32>
    %shift_right_logical3A_26 = arith.constant 6 : i32
    %shift_right_logical3A_27 = vector.broadcast %shift_right_logical3A_26 : i32 to vector<128x200xi32>
    %shift_right_logical3A_28 = arith.shrui %xor3A_21, %shift_right_logical3A_27 : vector<128x200xi32>
    %or3A_29 = arith.ori %shift_left3A_25, %shift_right_logical3A_28 : vector<128x200xi32>
    %xor3A_30 = arith.xori %add3A_22, %or3A_29 : vector<128x200xi32>
    %add3A_31 = arith.addi %add3A_22, %xor3A_30 : vector<128x200xi32>
    %shift_left3A_32 = arith.constant 6 : i32
    %shift_left3A_33 = vector.broadcast %shift_left3A_32 : i32 to vector<128x200xi32>
    %shift_left3A_34 = arith.shli %xor3A_30, %shift_left3A_33 : vector<128x200xi32>
    %shift_right_logical3A_35 = arith.constant 26 : i32
    %shift_right_logical3A_36 = vector.broadcast %shift_right_logical3A_35 : i32 to vector<128x200xi32>
    %shift_right_logical3A_37 = arith.shrui %xor3A_30, %shift_right_logical3A_36 : vector<128x200xi32>
    %or3A_38 = arith.ori %shift_left3A_34, %shift_right_logical3A_37 : vector<128x200xi32>
    %xor3A_39 = arith.xori %add3A_31, %or3A_38 : vector<128x200xi32>
    %add3A_40 = arith.constant 1234 : i32
    %add3A_41 = vector.broadcast %add3A_40 : i32 to vector<128x200xi32>
    %add3A_42 = arith.addi %add3A_31, %add3A_41 : vector<128x200xi32>
    %add3A_43 = arith.constant 466689800 : i32
    %add3A_44 = vector.broadcast %add3A_43 : i32 to vector<128x200xi32>
    %add3A_45 = arith.addi %xor3A_39, %add3A_44 : vector<128x200xi32>
    %add3A_46 = arith.constant 1 : i32
    %add3A_47 = vector.broadcast %add3A_46 : i32 to vector<128x200xi32>
    %add3A_48 = arith.addi %add3A_45, %add3A_47 : vector<128x200xi32>
    %add3A_49 = arith.addi %add3A_42, %add3A_48 : vector<128x200xi32>
    %shift_left3A_50 = arith.constant 17 : i32
    %shift_left3A_51 = vector.broadcast %shift_left3A_50 : i32 to vector<128x200xi32>
    %shift_left3A_52 = arith.shli %add3A_48, %shift_left3A_51 : vector<128x200xi32>
    %shift_right_logical3A_53 = arith.constant 15 : i32
    %shift_right_logical3A_54 = vector.broadcast %shift_right_logical3A_53 : i32 to vector<128x200xi32>
    %shift_right_logical3A_55 = arith.shrui %add3A_48, %shift_right_logical3A_54 : vector<128x200xi32>
    %or3A_56 = arith.ori %shift_left3A_52, %shift_right_logical3A_55 : vector<128x200xi32>
    %xor3A_57 = arith.xori %add3A_49, %or3A_56 : vector<128x200xi32>
    %add3A_58 = arith.addi %add3A_49, %xor3A_57 : vector<128x200xi32>
    %shift_left3A_59 = arith.constant 29 : i32
    %shift_left3A_60 = vector.broadcast %shift_left3A_59 : i32 to vector<128x200xi32>
    %shift_left3A_61 = arith.shli %xor3A_57, %shift_left3A_60 : vector<128x200xi32>
    %shift_right_logical3A_62 = arith.constant 3 : i32
    %shift_right_logical3A_63 = vector.broadcast %shift_right_logical3A_62 : i32 to vector<128x200xi32>
    %shift_right_logical3A_64 = arith.shrui %xor3A_57, %shift_right_logical3A_63 : vector<128x200xi32>
    %or3A_65 = arith.ori %shift_left3A_61, %shift_right_logical3A_64 : vector<128x200xi32>
    %xor3A_66 = arith.xori %add3A_58, %or3A_65 : vector<128x200xi32>
    %add3A_67 = arith.addi %add3A_58, %xor3A_66 : vector<128x200xi32>
    %shift_left3A_68 = arith.constant 16 : i32
    %shift_left3A_69 = vector.broadcast %shift_left3A_68 : i32 to vector<128x200xi32>
    %shift_left3A_70 = arith.shli %xor3A_66, %shift_left3A_69 : vector<128x200xi32>
    %shift_right_logical3A_71 = arith.constant 16 : i32
    %shift_right_logical3A_72 = vector.broadcast %shift_right_logical3A_71 : i32 to vector<128x200xi32>
    %shift_right_logical3A_73 = arith.shrui %xor3A_66, %shift_right_logical3A_72 : vector<128x200xi32>
    %or3A_74 = arith.ori %shift_left3A_70, %shift_right_logical3A_73 : vector<128x200xi32>
    %xor3A_75 = arith.xori %add3A_67, %or3A_74 : vector<128x200xi32>
    %add3A_76 = arith.addi %add3A_67, %xor3A_75 : vector<128x200xi32>
    %shift_left3A_77 = arith.constant 24 : i32
    %shift_left3A_78 = vector.broadcast %shift_left3A_77 : i32 to vector<128x200xi32>
    %shift_left3A_79 = arith.shli %xor3A_75, %shift_left3A_78 : vector<128x200xi32>
    %shift_right_logical3A_80 = arith.constant 8 : i32
    %shift_right_logical3A_81 = vector.broadcast %shift_right_logical3A_80 : i32 to vector<128x200xi32>
    %shift_right_logical3A_82 = arith.shrui %xor3A_75, %shift_right_logical3A_81 : vector<128x200xi32>
    %or3A_83 = arith.ori %shift_left3A_79, %shift_right_logical3A_82 : vector<128x200xi32>
    %xor3A_84 = arith.xori %add3A_76, %or3A_83 : vector<128x200xi32>
    %add3A_85 = arith.constant 466689800 : i32
    %add3A_86 = vector.broadcast %add3A_85 : i32 to vector<128x200xi32>
    %add3A_87 = arith.addi %add3A_76, %add3A_86 : vector<128x200xi32>
    %add3A_88 = arith.constant 0 : i32
    %add3A_89 = vector.broadcast %add3A_88 : i32 to vector<128x200xi32>
    %add3A_90 = arith.addi %xor3A_84, %add3A_89 : vector<128x200xi32>
    %add3A_91 = arith.constant 2 : i32
    %add3A_92 = vector.broadcast %add3A_91 : i32 to vector<128x200xi32>
    %add3A_93 = arith.addi %add3A_90, %add3A_92 : vector<128x200xi32>
    %add3A_94 = arith.addi %add3A_87, %add3A_93 : vector<128x200xi32>
    %shift_left3A_95 = arith.constant 13 : i32
    %shift_left3A_96 = vector.broadcast %shift_left3A_95 : i32 to vector<128x200xi32>
    %shift_left3A_97 = arith.shli %add3A_93, %shift_left3A_96 : vector<128x200xi32>
    %shift_right_logical3A_98 = arith.constant 19 : i32
    %shift_right_logical3A_99 = vector.broadcast %shift_right_logical3A_98 : i32 to vector<128x200xi32>
    %shift_right_logical3A_100 = arith.shrui %add3A_93, %shift_right_logical3A_99 : vector<128x200xi32>
    %or3A_101 = arith.ori %shift_left3A_97, %shift_right_logical3A_100 : vector<128x200xi32>
    %xor3A_102 = arith.xori %add3A_94, %or3A_101 : vector<128x200xi32>
    %add3A_103 = arith.addi %add3A_94, %xor3A_102 : vector<128x200xi32>
    %shift_left3A_104 = arith.constant 15 : i32
    %shift_left3A_105 = vector.broadcast %shift_left3A_104 : i32 to vector<128x200xi32>
    %shift_left3A_106 = arith.shli %xor3A_102, %shift_left3A_105 : vector<128x200xi32>
    %shift_right_logical3A_107 = arith.constant 17 : i32
    %shift_right_logical3A_108 = vector.broadcast %shift_right_logical3A_107 : i32 to vector<128x200xi32>
    %shift_right_logical3A_109 = arith.shrui %xor3A_102, %shift_right_logical3A_108 : vector<128x200xi32>
    %or3A_110 = arith.ori %shift_left3A_106, %shift_right_logical3A_109 : vector<128x200xi32>
    %xor3A_111 = arith.xori %add3A_103, %or3A_110 : vector<128x200xi32>
    %add3A_112 = arith.addi %add3A_103, %xor3A_111 : vector<128x200xi32>
    %shift_left3A_113 = arith.constant 26 : i32
    %shift_left3A_114 = vector.broadcast %shift_left3A_113 : i32 to vector<128x200xi32>
    %shift_left3A_115 = arith.shli %xor3A_111, %shift_left3A_114 : vector<128x200xi32>
    %shift_right_logical3A_116 = arith.constant 6 : i32
    %shift_right_logical3A_117 = vector.broadcast %shift_right_logical3A_116 : i32 to vector<128x200xi32>
    %shift_right_logical3A_118 = arith.shrui %xor3A_111, %shift_right_logical3A_117 : vector<128x200xi32>
    %or3A_119 = arith.ori %shift_left3A_115, %shift_right_logical3A_118 : vector<128x200xi32>
    %xor3A_120 = arith.xori %add3A_112, %or3A_119 : vector<128x200xi32>
    %add3A_121 = arith.addi %add3A_112, %xor3A_120 : vector<128x200xi32>
    %shift_left3A_122 = arith.constant 6 : i32
    %shift_left3A_123 = vector.broadcast %shift_left3A_122 : i32 to vector<128x200xi32>
    %shift_left3A_124 = arith.shli %xor3A_120, %shift_left3A_123 : vector<128x200xi32>
    %shift_right_logical3A_125 = arith.constant 26 : i32
    %shift_right_logical3A_126 = vector.broadcast %shift_right_logical3A_125 : i32 to vector<128x200xi32>
    %shift_right_logical3A_127 = arith.shrui %xor3A_120, %shift_right_logical3A_126 : vector<128x200xi32>
    %or3A_128 = arith.ori %shift_left3A_124, %shift_right_logical3A_127 : vector<128x200xi32>
    %xor3A_129 = arith.xori %add3A_121, %or3A_128 : vector<128x200xi32>
    %add3A_130 = arith.constant 0 : i32
    %add3A_131 = vector.broadcast %add3A_130 : i32 to vector<128x200xi32>
    %add3A_132 = arith.addi %add3A_121, %add3A_131 : vector<128x200xi32>
    %add3A_133 = arith.constant 1234 : i32
    %add3A_134 = vector.broadcast %add3A_133 : i32 to vector<128x200xi32>
    %add3A_135 = arith.addi %xor3A_129, %add3A_134 : vector<128x200xi32>
    %add3A_136 = arith.constant 3 : i32
    %add3A_137 = vector.broadcast %add3A_136 : i32 to vector<128x200xi32>
    %add3A_138 = arith.addi %add3A_135, %add3A_137 : vector<128x200xi32>
    %add3A_139 = arith.addi %add3A_132, %add3A_138 : vector<128x200xi32>
    %shift_left3A_140 = arith.constant 17 : i32
    %shift_left3A_141 = vector.broadcast %shift_left3A_140 : i32 to vector<128x200xi32>
    %shift_left3A_142 = arith.shli %add3A_138, %shift_left3A_141 : vector<128x200xi32>
    %shift_right_logical3A_143 = arith.constant 15 : i32
    %shift_right_logical3A_144 = vector.broadcast %shift_right_logical3A_143 : i32 to vector<128x200xi32>
    %shift_right_logical3A_145 = arith.shrui %add3A_138, %shift_right_logical3A_144 : vector<128x200xi32>
    %or3A_146 = arith.ori %shift_left3A_142, %shift_right_logical3A_145 : vector<128x200xi32>
    %xor3A_147 = arith.xori %add3A_139, %or3A_146 : vector<128x200xi32>
    %add3A_148 = arith.addi %add3A_139, %xor3A_147 : vector<128x200xi32>
    %shift_left3A_149 = arith.constant 29 : i32
    %shift_left3A_150 = vector.broadcast %shift_left3A_149 : i32 to vector<128x200xi32>
    %shift_left3A_151 = arith.shli %xor3A_147, %shift_left3A_150 : vector<128x200xi32>
    %shift_right_logical3A_152 = arith.constant 3 : i32
    %shift_right_logical3A_153 = vector.broadcast %shift_right_logical3A_152 : i32 to vector<128x200xi32>
    %shift_right_logical3A_154 = arith.shrui %xor3A_147, %shift_right_logical3A_153 : vector<128x200xi32>
    %or3A_155 = arith.ori %shift_left3A_151, %shift_right_logical3A_154 : vector<128x200xi32>
    %xor3A_156 = arith.xori %add3A_148, %or3A_155 : vector<128x200xi32>
    %add3A_157 = arith.addi %add3A_148, %xor3A_156 : vector<128x200xi32>
    %shift_left3A_158 = arith.constant 16 : i32
    %shift_left3A_159 = vector.broadcast %shift_left3A_158 : i32 to vector<128x200xi32>
    %shift_left3A_160 = arith.shli %xor3A_156, %shift_left3A_159 : vector<128x200xi32>
    %shift_right_logical3A_161 = arith.constant 16 : i32
    %shift_right_logical3A_162 = vector.broadcast %shift_right_logical3A_161 : i32 to vector<128x200xi32>
    %shift_right_logical3A_163 = arith.shrui %xor3A_156, %shift_right_logical3A_162 : vector<128x200xi32>
    %or3A_164 = arith.ori %shift_left3A_160, %shift_right_logical3A_163 : vector<128x200xi32>
    %xor3A_165 = arith.xori %add3A_157, %or3A_164 : vector<128x200xi32>
    %add3A_166 = arith.addi %add3A_157, %xor3A_165 : vector<128x200xi32>
    %shift_left3A_167 = arith.constant 24 : i32
    %shift_left3A_168 = vector.broadcast %shift_left3A_167 : i32 to vector<128x200xi32>
    %shift_left3A_169 = arith.shli %xor3A_165, %shift_left3A_168 : vector<128x200xi32>
    %shift_right_logical3A_170 = arith.constant 8 : i32
    %shift_right_logical3A_171 = vector.broadcast %shift_right_logical3A_170 : i32 to vector<128x200xi32>
    %shift_right_logical3A_172 = arith.shrui %xor3A_165, %shift_right_logical3A_171 : vector<128x200xi32>
    %or3A_173 = arith.ori %shift_left3A_169, %shift_right_logical3A_172 : vector<128x200xi32>
    %xor3A_174 = arith.xori %add3A_166, %or3A_173 : vector<128x200xi32>
    %add3A_175 = arith.constant 1234 : i32
    %add3A_176 = vector.broadcast %add3A_175 : i32 to vector<128x200xi32>
    %add3A_177 = arith.addi %add3A_166, %add3A_176 : vector<128x200xi32>
    %add3A_178 = arith.constant 466689800 : i32
    %add3A_179 = vector.broadcast %add3A_178 : i32 to vector<128x200xi32>
    %add3A_180 = arith.addi %xor3A_174, %add3A_179 : vector<128x200xi32>
    %add3A_181 = arith.constant 4 : i32
    %add3A_182 = vector.broadcast %add3A_181 : i32 to vector<128x200xi32>
    %add3A_183 = arith.addi %add3A_180, %add3A_182 : vector<128x200xi32>
    %add3A_184 = arith.addi %add3A_177, %add3A_183 : vector<128x200xi32>
    %shift_left3A_185 = arith.constant 13 : i32
    %shift_left3A_186 = vector.broadcast %shift_left3A_185 : i32 to vector<128x200xi32>
    %shift_left3A_187 = arith.shli %add3A_183, %shift_left3A_186 : vector<128x200xi32>
    %shift_right_logical3A_188 = arith.constant 19 : i32
    %shift_right_logical3A_189 = vector.broadcast %shift_right_logical3A_188 : i32 to vector<128x200xi32>
    %shift_right_logical3A_190 = arith.shrui %add3A_183, %shift_right_logical3A_189 : vector<128x200xi32>
    %or3A_191 = arith.ori %shift_left3A_187, %shift_right_logical3A_190 : vector<128x200xi32>
    %xor3A_192 = arith.xori %add3A_184, %or3A_191 : vector<128x200xi32>
    %add3A_193 = arith.addi %add3A_184, %xor3A_192 : vector<128x200xi32>
    %shift_left3A_194 = arith.constant 15 : i32
    %shift_left3A_195 = vector.broadcast %shift_left3A_194 : i32 to vector<128x200xi32>
    %shift_left3A_196 = arith.shli %xor3A_192, %shift_left3A_195 : vector<128x200xi32>
    %shift_right_logical3A_197 = arith.constant 17 : i32
    %shift_right_logical3A_198 = vector.broadcast %shift_right_logical3A_197 : i32 to vector<128x200xi32>
    %shift_right_logical3A_199 = arith.shrui %xor3A_192, %shift_right_logical3A_198 : vector<128x200xi32>
    %or3A_200 = arith.ori %shift_left3A_196, %shift_right_logical3A_199 : vector<128x200xi32>
    %xor3A_201 = arith.xori %add3A_193, %or3A_200 : vector<128x200xi32>
    %add3A_202 = arith.addi %add3A_193, %xor3A_201 : vector<128x200xi32>
    %shift_left3A_203 = arith.constant 26 : i32
    %shift_left3A_204 = vector.broadcast %shift_left3A_203 : i32 to vector<128x200xi32>
    %shift_left3A_205 = arith.shli %xor3A_201, %shift_left3A_204 : vector<128x200xi32>
    %shift_right_logical3A_206 = arith.constant 6 : i32
    %shift_right_logical3A_207 = vector.broadcast %shift_right_logical3A_206 : i32 to vector<128x200xi32>
    %shift_right_logical3A_208 = arith.shrui %xor3A_201, %shift_right_logical3A_207 : vector<128x200xi32>
    %or3A_209 = arith.ori %shift_left3A_205, %shift_right_logical3A_208 : vector<128x200xi32>
    %xor3A_210 = arith.xori %add3A_202, %or3A_209 : vector<128x200xi32>
    %add3A_211 = arith.addi %add3A_202, %xor3A_210 : vector<128x200xi32>
    %shift_left3A_212 = arith.constant 6 : i32
    %shift_left3A_213 = vector.broadcast %shift_left3A_212 : i32 to vector<128x200xi32>
    %shift_left3A_214 = arith.shli %xor3A_210, %shift_left3A_213 : vector<128x200xi32>
    %shift_right_logical3A_215 = arith.constant 26 : i32
    %shift_right_logical3A_216 = vector.broadcast %shift_right_logical3A_215 : i32 to vector<128x200xi32>
    %shift_right_logical3A_217 = arith.shrui %xor3A_210, %shift_right_logical3A_216 : vector<128x200xi32>
    %or3A_218 = arith.ori %shift_left3A_214, %shift_right_logical3A_217 : vector<128x200xi32>
    %xor3A_219 = arith.xori %add3A_211, %or3A_218 : vector<128x200xi32>
    %add3A_220 = arith.constant 466689800 : i32
    %add3A_221 = vector.broadcast %add3A_220 : i32 to vector<128x200xi32>
    %add3A_222 = arith.addi %add3A_211, %add3A_221 : vector<128x200xi32>
    %add3A_223 = arith.constant 0 : i32
    %add3A_224 = vector.broadcast %add3A_223 : i32 to vector<128x200xi32>
    %add3A_225 = arith.addi %xor3A_219, %add3A_224 : vector<128x200xi32>
    %add3A_226 = arith.constant 5 : i32
    %add3A_227 = vector.broadcast %add3A_226 : i32 to vector<128x200xi32>
    %add3A_228 = arith.addi %add3A_225, %add3A_227 : vector<128x200xi32>
    %xor3A_229 = arith.xori %add3A_222, %add3A_228 : vector<128x200xi32>
    %shift_right_logical3A_230 = arith.constant 9 : i32
    %shift_right_logical3A_231 = vector.broadcast %shift_right_logical3A_230 : i32 to vector<128x200xi32>
    %shift_right_logical3A_232 = arith.shrui %xor3A_229, %shift_right_logical3A_231 : vector<128x200xi32>
    %or3A_233 = arith.constant 1065353216 : i32
    %or3A_234 = vector.broadcast %or3A_233 : i32 to vector<128x200xi32>
    %or3A_235 = arith.ori %shift_right_logical3A_232, %or3A_234 : vector<128x200xi32>
    %bitcast_convert_type3A = tpu.bitcast %or3A_235 : vector<128x200xi32> -> vector<128x200xf32>
    %sub3A = arith.constant 1.000000e+00 : f32
    %sub3A_236 = vector.broadcast %sub3A : f32 to vector<128x200xf32>
    %sub3A_237 = arith.subf %bitcast_convert_type3A, %sub3A_236 : vector<128x200xf32>
    %sub3A_238 = arith.constant 1.000000e+00 : f32
    %sub3A_239 = arith.constant 9.99999993E-9 : f32
    %sub3A_240 = arith.subf %sub3A_238, %sub3A_239 : f32
    %mul3A_241 = vector.broadcast %sub3A_240 : f32 to vector<128x200xf32>
    %mul3A_242 = arith.mulf %sub3A_237, %mul3A_241 : vector<128x200xf32>
    %add3A_243 = arith.constant 9.99999993E-9 : f32
    %add3A_244 = vector.broadcast %add3A_243 : f32 to vector<128x200xf32>
    %add3A_245 = arith.addf %mul3A_242, %add3A_244 : vector<128x200xf32>
    %max3A = arith.constant 9.99999993E-9 : f32
    %max3A_246 = vector.broadcast %max3A : f32 to vector<128x200xf32>
    %max3A_247 = arith.maximumf %max3A_246, %add3A_245 : vector<128x200xf32>
    %log3A = math.log %max3A_247 : vector<128x200xf32>
    %neg3A = arith.constant 0.000000e+00 : f32
    %neg3A_248 = vector.broadcast %neg3A : f32 to vector<128x200xf32>
    %neg3A_249 = arith.subf %neg3A_248, %log3A : vector<128x200xf32>
    %log3A_250 = math.log %neg3A_249 : vector<128x200xf32>
    %get3A_251 = arith.constant 0 : index
    %get3A_252 = arith.constant 0 : index
    %get3A_253 = vector.load %arg3[%get3A_251, %get3A_252] : memref<1x200xf32, #tpu.memory_space<vmem>>, vector<1x200xf32>
    %get3A_254 = arith.constant 0 : index
    %get3A_255 = arith.constant 0 : index
    %get3A_256 = vector.load %arg2[%get3A_254, %get3A_255] : memref<128x200xf32, #tpu.memory_space<vmem>>, vector<128x200xf32>
    %mul3A_257 = vector.broadcast %get3A_253 : vector<1x200xf32> to vector<128x200xf32>
    %mul3A_258 = arith.mulf %mul3A_257, %get3A_256 : vector<128x200xf32>
    %mul3A_259 = arith.constant 1.000000e+02 : f32
    %mul3A_260 = vector.broadcast %mul3A_259 : f32 to vector<128x200xf32>
    %mul3A_261 = arith.mulf %mul3A_258, %mul3A_260 : vector<128x200xf32>
    %add3A_262 = arith.addf %mul3A_261, %log3A_250 : vector<128x200xf32>
    %logistic3A = arith.negf %add3A_262 : vector<128x200xf32>
    %logistic3A_263 = math.exp %logistic3A : vector<128x200xf32>
    %logistic3A_264 = arith.constant 1.000000e+00 : f32
    %logistic3A_265 = vector.broadcast %logistic3A_264 : f32 to vector<128x200xf32>
    %logistic3A_266 = arith.addf %logistic3A_265, %logistic3A_263 : vector<128x200xf32>
    %logistic3A_267 = arith.divf %logistic3A_265, %logistic3A_266 : vector<128x200xf32>
    %get3A_268 = arith.constant 0 : index
    %get3A_269 = arith.constant 0 : index
    %get3A_270 = vector.load %arg4[%get3A_268, %get3A_269] : memref<1x8192xi32, #tpu.memory_space<vmem>>, vector<1x8192xi32>
    %broadcast_in_dim3A_271 = vector.shape_cast %get3A_270 : vector<1x8192xi32> to vector<1x8192xi32>
    %broadcast_in_dim3A_272 = vector.broadcast %broadcast_in_dim3A_271 : vector<1x8192xi32> to vector<128x8192xi32>
    %slice3A = vector.extract_strided_slice %logistic3A_267 {offsets = [0, 0], sizes = [128, 128], strides = [1, 1]} : vector<128x200xf32> to vector<128x128xf32>
    %lt3A = arith.constant 0 : i32
    %lt3A_273 = vector.broadcast %lt3A : i32 to vector<128x8192xi32>
    %lt3A_274 = arith.cmpi slt, %broadcast_in_dim3A_272, %lt3A_273 : vector<128x8192xi32>
    %add3A_275 = arith.constant 128 : i32
    %add3A_276 = vector.broadcast %add3A_275 : i32 to vector<128x8192xi32>
    %add3A_277 = arith.addi %broadcast_in_dim3A_272, %add3A_276 : vector<128x8192xi32>
    %select_n3A = arith.select %lt3A_274, %add3A_277, %broadcast_in_dim3A_272 : vector<128x8192xi1>, vector<128x8192xi32>
    %reshape3A = vector.shape_cast %select_n3A : vector<128x8192xi32> to vector<128x8192x1xi32>
    %gather3A = vector.shape_cast %reshape3A : vector<128x8192x1xi32> to vector<128x8192xi32>
    %gather3A_278 = tpu.dynamic_gather %slice3A[%gather3A] in [1] : vector<128x128xf32>, vector<128x8192xi32> -> vector<128x8192xf32>
    %get3A_279 = arith.constant 0 : index
    %get3A_280 = arith.constant 0 : index
    %get3A_281 = vector.load %arg4[%get3A_279, %get3A_280] : memref<1x8192xi32, #tpu.memory_space<vmem>>, vector<1x4608xi32>
    %broadcast_in_dim3A_282 = vector.shape_cast %get3A_281 : vector<1x4608xi32> to vector<1x4608xi32>
    %broadcast_in_dim3A_283 = vector.broadcast %broadcast_in_dim3A_282 : vector<1x4608xi32> to vector<128x4608xi32>
    %slice3A_284 = vector.extract_strided_slice %logistic3A_267 {offsets = [0, 128], sizes = [128, 72], strides = [1, 1]} : vector<128x200xf32> to vector<128x72xf32>
    %lt3A_285 = arith.constant 0 : i32
    %lt3A_286 = vector.broadcast %lt3A_285 : i32 to vector<128x4608xi32>
    %lt3A_287 = arith.cmpi slt, %broadcast_in_dim3A_283, %lt3A_286 : vector<128x4608xi32>
    %add3A_288 = arith.constant 72 : i32
    %add3A_289 = vector.broadcast %add3A_288 : i32 to vector<128x4608xi32>
    %add3A_290 = arith.addi %broadcast_in_dim3A_283, %add3A_289 : vector<128x4608xi32>
    %select_n3A_291 = arith.select %lt3A_287, %add3A_290, %broadcast_in_dim3A_283 : vector<128x4608xi1>, vector<128x4608xi32>
    %reshape3A_292 = vector.shape_cast %select_n3A_291 : vector<128x4608xi32> to vector<128x4608x1xi32>
    %gather3A_293 = vector.shape_cast %reshape3A_292 : vector<128x4608x1xi32> to vector<128x4608xi32>
    %gather3A_294 = tpu.dynamic_gather %slice3A_284[%gather3A_293] in [1] : vector<128x72xf32>, vector<128x4608xi32> -> vector<128x4608xf32>
    %concatenate3A = tpu.concatenate %gather3A_278, %gather3A_294 in 1 : vector<128x8192xf32>, vector<128x4608xf32> -> vector<128x12800xf32>
    %get3A_295 = arith.constant 0 : index
    %get3A_296 = arith.constant 0 : index
    %get3A_297 = vector.load %arg5[%get3A_295, %get3A_296] : memref<128x12800xf32, #tpu.memory_space<vmem>>, vector<128x12800xf32>
    %mul3A_298 = arith.mulf %get3A_297, %concatenate3A : vector<128x12800xf32>
    %swap3A = arith.constant 0 : index
    %swap3A_299 = arith.constant 0 : index
    %swap3A_300 = vector.load %arg6[%swap3A, %swap3A_299] : memref<128x12800xf32, #tpu.memory_space<vmem>>, vector<128x12800xf32>
    tpu.vector_store %arg6[%swap3A, %swap3A_299], %mul3A_298 {strides = array<i32>} : memref<128x12800xf32, #tpu.memory_space<vmem>>, vector<128x12800xf32>,
    return
  }
  func.func @transform_0(%arg0: i32) -> (i32, i32) {
    %c0_i32 = arith.constant 0 : i32
    %c0_i32_0 = arith.constant 0 : i32
    return %arg0, %c0_i32 : i32, i32
  }
  func.func @transform_1(%arg0: i32) -> (i32, i32) {
    %c0_i32 = arith.constant 0 : i32
    %c0_i32_0 = arith.constant 0 : i32
    return %arg0, %c0_i32 : i32, i32
  }
  func.func @transform_2(%arg0: i32) -> (i32, i32) {
    %c0_i32 = arith.constant 0 : i32
    %c0_i32_0 = arith.constant 0 : i32
    %c0_i32_1 = arith.constant 0 : i32
    return %c0_i32, %c0_i32_0 : i32, i32
  }
  func.func @transform_3(%arg0: i32) -> (i32, i32) {
    %c0_i32 = arith.constant 0 : i32
    %c0_i32_0 = arith.constant 0 : i32
    %c0_i32_1 = arith.constant 0 : i32
    return %c0_i32, %c0_i32_0 : i32, i32
  }
  func.func @transform_4(%arg0: i32) -> (i32, i32) {
    %c0_i32 = arith.constant 0 : i32
    %c0_i32_0 = arith.constant 0 : i32
    return %arg0, %c0_i32 : i32, i32
  }
  func.func @transform_5(%arg0: i32) -> (i32, i32) {
    %c0_i32 = arith.constant 0 : i32
    %c0_i32_0 = arith.constant 0 : i32
    return %arg0, %c0_i32 : i32, i32
  }
}

</mosaic_0001>

<sc_bundles>
// kernel: kernel.4.cloned.1.call-start
scs
__scs_entry_jumppad:
0x0: {  	(pc) =	sbr.rel $0x88, $3  }
0x1: {  	(tag) =	ssettag $0x0;
	lr =	simm.s32 $0x1  }
0x2: {  	[smem:$0x3F9D] =	sst lr;
	_ =	strace $0xD0000000  }
0x3: {  	_ = 	snop  }
0x4: {  	_ = 	snop  }
0x5: {  	_ = 	snop  }
0x6: {  	_ = 	snop  }
0x7: {  	_ = 	snop  }
__scs_overlays_trampoline_lowered:
0x8: {  	[smem:$0x3FAC] =	sst s0  }
0x9: {  	[smem:$0x3FAD] =	sst s1  }
0xa: {  	[smem:$0x3FAE] =	sst s2  }
0xb: {  	[smem:$0x3FAF] =	sst s3  }
0xc: {  	[smem:$0x3FB0] =	sst s4  }
0xd: {  	[smem:$0x3FB1] =	sst s5  }
0xe: {  	[smem:$0x3FB2] =	sst s6  }
0xf: {  	[smem:$0x3FB3] =	sst s7  }
0x10: {  	[smem:$0x3FB4] =	sst s8  }
0x11: {  	[smem:$0x3FB5] =	sst s9;
	s0 =	simm.s32 @!p0 $0x0  }
0x12: {  	s1 =	sld [smem:$0x3F9B];
	s0 =	simm.s32 @p0 $0x1  }
0x13: {  	[smem:$0x3FB6] =	sst s0;
	s0 =	simm.s32 @!p1 $0x0  }
0x14: {  	s2 =	sld [smem:$0x3F9A];
	s0 =	simm.s32 @p1 $0x1  }
0x15: {  	[smem:$0x3FB7] =	sst s0;
	s0 =	simm.s32 @!p2 $0x0  }
0x16: {  	s3 =	sld [smem:$0x3FDB];
	s0 =	simm.s32 @p2 $0x1  }
0x17: {  	s4 =	simm.s32 $0x1BF5;
	[smem:$0x3FB9] =	sst s0  }
0x18: {  	s0 =	sld [smem:$0x3F9C];
	_ =	swait.ge [sflag:s4], $0x0  }
0x19: {  	s7 =	sld [smem:$0x3F9D]  }
0x1a: {  	s8 =	sadd.s32 $0xFFFFE003, lr  }
0x1b: {  	s9 =	sadd.s32 $0xFFFFFEF7, lr;
	s5 =	simm.s32 $0xFFFFFFFF;
	p2 =	slt.u32 s8, $0xFFFFF086  }
0x1c: {  	p1 =	slt.u32 s9, $0xF7A;
	s5 =	simm.s32 @!p2 $0x0  }
0x1d: {  	s5 =	simm.s32 @p1 $0x1;
	p0 =	seq.s32 s7, s2  }
0x1e: {  	s7 =	smul.u32 @!p0 $0xF7A, s2;
	p2 =	seq.s32 @!p0 s5, $0x0  }
0x1f: {  	s9 =	smul.u32 $0xF7A, s1;
	s8 =	simm.s32 @!p0 $0x1BF5;
	p2 =	por !p2, p0  }
0x20: {  	[sflag:s8] =	ssyncset.s32 @!p0 $0xFFFFF086;
	s6 =	sadd.s32 @!p0 s3, s7;
	s7 =	simm.s32 @!p0 $0x108  }
0x21: {  	s3 =	sadd.s32 s3, s9;
	s6 =	sadd.s32 @!p0 $0x88, s6;
	s7 =	simm.s32 @p2 $0x1082  }
0x22: {  	[simem:s7], [sflag:s8] =	dma.local @!p0 [hbm:s6], $0xF7A  }
0x23: {  	s9 =	sor.u32 $0xD0000000, s2;
	s6 =	simm.s32 $0x108;
	_ =	swait.ge @!p0 [sflag:s8], $0x0  }
0x24: {  	s3 =	sadd.s32 $0x88, s3;
	s6 =	simm.s32 @!p1 $0x1082;
	[sflag:s4] =	ssyncset.s32 $0xFFFFF086  }
0x25: {  	[simem:s6], [sflag:s4] =	dma.local [hbm:s3], $0xF7A  }
0x26: {  	[smem:$0x3F9D] =	sst s1;
	(tag) =	ssettag s2;
	_ =	strace s9  }
0x27: {  	s1 =	sld [smem:$0x3FAD]  }
0x28: {  	s2 =	sld [smem:$0x3FAE]  }
0x29: {  	s4 =	sld [smem:$0x3FB0]  }
0x2a: {  	p0 =	seq.s32 s5, $0x0;
	s5 =	sld [smem:$0x3FB1]  }
0x2b: {  	s6 =	sld [smem:$0x3FB2]  }
0x2c: {  	s7 =	sld [smem:$0x3FB3]  }
0x2d: {  	s3 =	simm.s32 $0x108;
	s8 =	sld [smem:$0x3FB4]  }
0x2e: {  	s3 =	simm.s32 @!p0 $0x1082;
	s9 =	sld [smem:$0x3FB5]  }
0x2f: {  	lr =	sadd.s32 s0, s3;
	s0 =	sld [smem:$0x3FAC]  }
0x30: {  	s3 =	sld [smem:$0x3FAF]  }
0x31: {  	[smem:$0x3FB8] =	sst s10  }
0x32: {  	s10 =	sld [smem:$0x3FB6];
	_ =	sdelay $0x3  }
0x33: {  	p0 =	seq.s32 s10, $0x1;
	s10 =	sld [smem:$0x3FB8];
	_ =	sdelay $0x3  }
0x34: {  	[smem:$0x3FB8] =	sst s10  }
0x35: {  	s10 =	sld [smem:$0x3FB7];
	_ =	sdelay $0x3  }
0x36: {  	p1 =	seq.s32 s10, $0x1;
	s10 =	sld [smem:$0x3FB8];
	_ =	sdelay $0x3  }
0x37: {  	[smem:$0x3FB8] =	sst s10  }
0x38: {  	s10 =	sld [smem:$0x3FB9]  }
0x39: {  	_ = 	snop;
	(pc) =	sbr.ind lr, $3  }
0x3a: {  	_ = 	snop  }
0x3b: {  	_ = 	snop  }
0x3c: {  	p2 =	seq.s32 s10, $0x1;
	s10 =	sld [smem:$0x3FB8]  }
0x3d: {  	_ =	shalt  }
0x3e: {  	_ =	shalt  }
0x3f: {  	_ =	shalt  }
0x40: {  	_ =	shalt  }
0x41: {  	_ =	shalt  }
0x42: {  	_ =	shalt  }
0x43: {  	_ =	shalt  }
0x44: {  	_ =	shalt  }
0x45: {  	_ =	shalt  }
0x46: {  	_ =	shalt  }
0x47: {  	_ =	shalt  }
0x48: {  	_ =	shalt  }
0x49: {  	_ =	shalt  }
0x4a: {  	_ =	shalt  }
0x4b: {  	_ =	shalt  }
0x4c: {  	_ =	shalt  }
0x4d: {  	_ =	shalt  }
0x4e: {  	_ =	shalt  }
0x4f: {  	_ =	shalt  }
0x50: {  	_ =	shalt  }
0x51: {  	_ =	shalt  }
0x52: {  	_ =	shalt  }
0x53: {  	_ =	shalt  }
0x54: {  	_ =	shalt  }
0x55: {  	_ =	shalt  }
0x56: {  	_ =	shalt  }
0x57: {  	_ =	shalt  }
0x58: {  	_ =	shalt  }
0x59: {  	_ =	shalt  }
0x5a: {  	_ =	shalt  }
0x5b: {  	_ =	shalt  }
0x5c: {  	_ =	shalt  }
0x5d: {  	_ =	shalt  }
0x5e: {  	_ =	shalt  }
0x5f: {  	_ =	shalt  }
0x60: {  	_ =	shalt  }
0x61: {  	_ =	shalt  }
0x62: {  	_ =	shalt  }
0x63: {  	_ =	shalt  }
0x64: {  	_ =	shalt  }
0x65: {  	_ =	shalt  }
0x66: {  	_ =	shalt  }
0x67: {  	_ =	shalt  }
0x68: {  	_ =	shalt  }
0x69: {  	_ =	shalt  }
0x6a: {  	_ =	shalt  }
0x6b: {  	_ =	shalt  }
0x6c: {  	_ =	shalt  }
0x6d: {  	_ =	shalt  }
0x6e: {  	_ =	shalt  }
0x6f: {  	_ =	shalt  }
0x70: {  	_ =	shalt  }
0x71: {  	_ =	shalt  }
0x72: {  	_ =	shalt  }
0x73: {  	_ =	shalt  }
0x74: {  	_ =	shalt  }
0x75: {  	_ =	shalt  }
0x76: {  	_ =	shalt  }
0x77: {  	_ =	shalt  }
0x78: {  	_ =	shalt  }
0x79: {  	_ =	shalt  }
0x7a: {  	_ =	shalt  }
0x7b: {  	_ =	shalt  }
0x7c: {  	_ =	shalt  }
0x7d: {  	_ =	shalt  }
0x7e: {  	_ =	shalt  }
0x7f: {  	_ =	shalt  }
0x80: {  	_ =	shalt  }
0x81: {  	_ =	shalt  }
0x82: {  	_ =	shalt  }
0x83: {  	_ =	shalt  }
0x84: {  	_ =	shalt  }
0x85: {  	_ =	shalt  }
0x86: {  	_ =	shalt  }
0x87: {  	_ =	shalt  }
.Lfunc_end0:
.L_simem_size_0:
called_computation_lowered:
.L_overlay_start_0:
0x88: {  	s2 =	sld [smem:$0x3FD9]  }
0x89: {  	s3 =	sld [smem:$0x3FFE];
	_ =	sdelay $0x1  }
0x8a: {  	s1 =	srdreg.scid  }
0x8b: {  	s0 =	sand.u32 $0x1, s1  }
0x8c: {  	s17 =	sshll.u32 s0, $0xA;
	s2 =	sadd.s32 s3, s2  }
0x8d: {  	s2 =	sadd.s32 s2, s17  }
0x8e: {  	[smem:$0x3FC4] =	sst s2  }
0x8f: {  	_ = 	snop  }
0x90: {  	s2 =	sld [smem:$0x3FC6];
	(tm) =	ssettm $0x1  }
0x91: {  	s18 =	sld [smem:$0x3FFB];
	_ =	sdelay $0x3  }
0x92: {  	_ =	strace s18  }
0x93: {  	s3 =	sld [smem:$0x3FFC];
	_ =	sdelay $0x3  }
0x94: {  	_ =	strace s3  }
0x95: {  	s3 =	sld [smem:$0x3FFD];
	_ =	sdelay $0x3  }
0x96: {  	_ =	strace s3  }
0x97: {  	_ =	strace $0x8FFFFFFF  }
0x98: {  	s19 =	sld [smem:$0x3FDB];
	_ =	sdelay $0x1  }
0x99: {  	s4 =	simm.s32 $_scs_section_size  }
0x9a: {  	s5 =	simm.s32 $_size__tile_overlayer_lowered;
	s6 =	simm.s32 $_tile_overlayer_lowered  }
0x9b: {  	s22 =	simm.s32 $0x1BFF;
	s21 =	sshll.u32 s6, $0x1;
	s3 =	sadd.s32 s4, s19  }
0x9c: {  	s7 =	simm.s32 $0x0;
	s20 =	sshll.u32 s5, $0x1;
	s5 =	sadd.s32 s21, s3  }
0x9d: {  	[timem:s7], [sflag:s22] =	dma.local [hbm:s5], s20  }
0x9e: {  	_ =	swait.ge [sflag:s22], s20  }
0x9f: {  	s4 =	ssub.s32 $0x0, s20;
	[sflag:s22] =	ssyncset.done $0x0  }
0xa0: {  	[sflag:s22] =	ssyncadd.s32 s4;
	_ =	sdelay $0x1  }
0xa1: {  	s23 =	simm.s32 $0x1B8B  }
0xa2: {  	_ =	swait.ge [sflag:s23], $0x1  }
0xa3: {  	[sflag:s23] =	ssyncset.done $0x0  }
0xa4: {  	s25 =	simm.s32 $0x1B8E;
	s24 =	sld [smem:$0x3FFE];
	[sflag:s23] =	ssyncadd.s32 $0xFFFFFFFF  }
0xa5: {  	s26 =	simm.s32 $execute0_lowered;
	[smem:$0x3FD2] =	sst s25  }
0xa6: {  	s5 =	sshll.u32 s26, $0x1;
	_ =	strace $0x80000046;
	[dreg:$0x1] =	wrdreg $0xFFFFFFFF  }
0xa7: {  	s28 =	simm.s32 $_size_execute0_lowered;
	s3 =	sadd.s32 s3, s5;
	[dreg:$0x0] =	wrdreg $0x0  }
0xa8: {  	s5 =	sshll.u32 s28, $0x1;
	[dreg:$0x2] =	wrdreg s3  }
0xa9: {  	[dreg:$0x3] =	wrdreg s5  }
0xaa: {  	[dreg:$0x4] =	wrdreg $0xC0  }
0xab: {  	_ =	task [dreg:s7], $0x5FFFF  }
0xac: {  	[dreg:$0x1] =	wrdreg $0xFFFFFFFF  }
0xad: {  	[dreg:$0x0] =	wrdreg $0x60  }
0xae: {  	[dreg:$0x2] =	wrdreg s2  }
0xaf: {  	[dreg:$0x3] =	wrdreg s24  }
0xb0: {  	[dreg:$0x4] =	wrdreg $0x9  }
0xb1: {  	_ =	task.clear_ibuf [dreg:s7], $0x5FFFF;
	_ =	strace $0x90000046  }
0xb2: {  	s29 =	simm.s32 $0x9;
	_ =	strace $0x80000048  }
0xb3: {  	_ =	swait.ge [sflag:s29], $0x1  }
0xb4: {  	[sflag:s29] =	ssyncadd.s32 $0xFFFFFFFF  }
0xb5: {  	_ =	strace $0x90000048  }
0xb6: {  	_ =	sfence  }
0xb7: {  	s30 =	sld [smem:$0x0];
	_ =	sdelay $0x2  }
0xb8: {  	s31 =	sshll.u32 s1, $0xD;
	s1 =	sshrl.u32 s1, $0x2  }
0xb9: {  	s3 =	sand.u32 $0x4000, s31;
	s1 =	sadd.s32 s1, s30  }
0xba: {  	s0 =	sor.u32 s3, s0;
	s1 =	sshll.u32 s1, $0x11  }
0xbb: {  	s0 =	sor.u32 s1, s0  }
0xbc: {  	s0 =	sadd.s32 $0x8F2B, s0  }
0xbd: {  	[sflag:s0] =	ssyncadd.remote.s32 $0x1  }
0xbe: {  	_ =	sfence.sel $0xFFFF  }
0xbf: {  	[dreg:$0x0] =	wrdreg $0xFFFFFFFF;
	(pc) =	sbr.abs _section_cstart, $3  }
0xc0: {  	[dreg:$0x1] =	wrdreg $0xFFFFFFFF  }
0xc1: {  	_ =	task.clear_ibuf [dreg:s7], $0x2FFFF;
	_ =	strace $0x9FFFFFFF  }
0xc2: {  	(tm) =	ssettm $0x7FFFFFFF  }
0xc3: {  	_ =	shalt  }
tec
execute0_lowered:
.L_overlay_start_1:
0x0: {  	(tag) =	ssettag $0x1  }
0x1: {  	s1 =	srdreg.scid  }
0x2: {  	s0 =	stileid.u32;
	s2 =	rddreg [dreg:$0x0]  }
0x3: {  	s5 =	rddreg [dreg:$0x1];
	s3 =	simm.s32 $0x0;
	s7 =	simm.s32 $0x2  }
0x4: {  	s8 =	simm.s32 $0x80;
	s4 =	sand.u32 $0x1, s1;
	s30 =	sshll.u32 s0, $0x1  }
0x5: {  	s9 =	simm.s32 $0x1;
	s10 =	simm.s32 $0x1C00;
	s6 =	sor.u32 s4, s30  }
0x6: {  	s1 =	rddreg [dreg:$0x2];
	s4 =	ssub.s32 $0x2, s4;
	s6 =	smul.u32 $0x380, s6  }
0x7: {  	s11 =	simm.s32 $0x0;
	[smem:$0x7FF] =	sst s3;
	s31 =	sshrl.u32 s4, $0x1  }
0x8: {  	_ =	strace $0x80000047;
	s5 =	sadd.s32 s6, s5;
	s6 =	ssub.s32 s4, s31  }
0x9: {  	s4 =	sadd.s32 $0x600, s5;
	s5 =	sadd.s32 $0x7600, s5;
	s6 =	smax.u32 s6, $0x1  }
.LBB2_1:
0xa: {  	[tilespmem:s3], [sflag:$0x2] =	stream.linear.gather [hbm4b:s4+s3], $0x1900, $0x38;
	[tilespmem:$0x3800] =	vst v63  }
0xb: {  	_ =	swait.ge [sflag:s7], $0x1900  }
0xc: {  	[sflag:s7] =	ssyncset.done $0x0  }
0xd: {  	s12 =	simm.s32 $0x0;
	[sflag:s7] =	ssyncadd.s32 $0xFFFFE700  }
.LBB2_2:
0xe: {  	p0 =	sne.s32 s12, $0x6200  }
.Ltmp0:
0xf: {  	_ = 	snop;
	(pc) =	sbr.rel @p0 .LBB2_2-.Ltmp0, $4  }
0x10: {  	_ = 	snop  }
0x11: {  	s13 =	sshra.s32 s12, $0x2  }
0x12: {  	s12 =	sadd.s32 $0x200, s12;
	s14 =	sadd.s32 $0x1C00, s13  }
0x13: {  	[tilespmem:s14], [sflag:$0x1] =	stream.indirect.gather [hbm4b:s2+s8], $0x1, s13, s8, $0xb8;
	[tilespmem:$0x3800] =	vst v63  }
0x14: {  	_ =	swait.ge [sflag:s9], $0x80  }
0x15: {  	s12 =	simm.s32 $0x31;
	[sflag:s9] =	ssyncset.done $0x0  }
.LBB2_4:
0x16: {  	p0 =	sne.s32 s12, $0x1;
	s12 =	sadd.s32 $0xFFFFFFFF, s12;
	[sflag:s9] =	ssyncadd.s32 $0xFFFFFF80  }
.Ltmp1:
0x17: {  	(pc) =	sbr.rel @p0 .LBB2_4-.Ltmp1, $3  }
0x18: {  	_ =	sdelay $0x1  }
0x19: {  	_ =	swait.ge [sflag:s9], $0x80  }
0x1a: {  	[sflag:s9] =	ssyncset.done $0x0  }
0x1b: {  	s11 =	sadd.s32 $0x1, s11  }
0x1c: {  	p0 =	sne.s32 s11, s6  }
.Ltmp2:
0x1d: {  	[sflag:s9] =	ssyncadd.s32 $0xFFFFFF80;
	(pc) =	sbr.rel @p0 .LBB2_1-.Ltmp2, $4  }
0x1e: {  	[hbm4b:s5+s3] =	stream.linear.scatter [tilespmem:s10], [sflag:$0x2], $0x1900, $0x38;
	[tilespmem:$0x3800] =	vst v63  }
0x1f: {  	_ =	swait.ge [sflag:s7], $0x1900  }
0x20: {  	[sflag:s7] =	ssyncset.done $0x0  }
0x21: {  	[sflag:s7] =	ssyncadd.s32 $0xFFFFE700  }
0x22: {  	_ =	sfence.sel $0x180000  }
0x23: {  	[bflag:$0x0] =	sbarrier.arrive $0xFFFF  }
0x24: {  	p0 =	sne.s32 s0, $0x0;
	_ =	strace $0x90000047  }
0x25: {  	s0 =	sadd.s32 @!p0 $0x100000, s1;
	[bflag:$0x2] =	sbarrier.arrive $0xFFFF  }
0x26: {  	[sflag:s0] =	ssyncadd.tile.s32 @!p0 $0x1;
	_ =	shalt  }
.Lfunc_end2:
_tile_overlayer_lowered:
.L_overlay_start_2:
0x27: {  	(tag) =	ssettag $0x2  }
0x28: {  	s0 =	rddreg [dreg:$0x0];
	s2 =	stileid.u32  }
0x29: {  	s1 =	rddreg [dreg:$0x1];
	p0 =	sne.s32 s2, $0x0  }
0x2a: {  	s3 =	rddreg [dreg:$0x2];
	[bflag:$0x3] =	sbarrier.arrive $0xFFFF;
	s2 =	simm.s32 @!p0 $0x1C02  }
0x2b: {  	[timem:s3], [sflag:s2] =	dma.local @!p0 [hbm:s0], s1  }
0x2c: {  	s0 =	simm.s32 @!p0 $0x2  }
0x2d: {  	_ =	swait.ge @!p0 [sflag:s0], s1  }
0x2e: {  	s1 =	ssub.s32 @!p0 $0x0, s1;
	[sflag:s0] =	ssyncset.done @!p0 $0x0  }
0x2f: {  	[sflag:s0] =	ssyncadd.s32 @!p0 s1  }
0x30: {  	[bflag:$0x3] =	sbarrier.arrive $0xFFFF  }
0x31: {  	_ =	shalt  }

</sc_bundles>
